<compile_context>
chip_gen: v7x
topology: tpu7x:2x2x1
jax: 0.10.2.dev20260603
libtpu: 0.0.44.dev20260713+nightly
codegen_flags: <defaults>
</compile_context>

<pallas_src>
import jax
import jax.numpy as jnp
from jax import lax
from jax.experimental import pallas as pl
from jax.experimental.pallas import tpu as pltpu
from jax.experimental.pallas import tpu_sc as plsc

VOCAB = 100000
CAT = 1000
MAXPOS = 200
EMB = 128
HID = 512
B = 1024
S = 200
N = B * S
EPS = 1e-12

NC = 2
NS = 16
NW = NC * NS
CHUNK = 128
TOK_PER_W = N // NW
N_CHUNKS = TOK_PER_W // CHUNK

TB = 4096


def _sc_gather_body(ids_hbm, id_tab, o1, idx1, r0, r1, sem0, sem1):
    wid = lax.axis_index("s") * NC + lax.axis_index("c")
    wbase = wid * TOK_PER_W
    bufs = (r0, r1)
    sems = (sem0, sem1)

    pltpu.sync_copy(ids_hbm.at[pl.ds(wbase, TOK_PER_W)], idx1)

    def fire(c, s):
        pltpu.async_copy(id_tab.at[idx1.at[pl.ds(c * CHUNK, CHUNK)]],
                         bufs[s], sems[s])

    def drain(s):
        pltpu.make_async_copy(o1.at[pl.ds(0, CHUNK)], bufs[s], sems[s]).wait()

    def writeback(c, s):
        pltpu.sync_copy(bufs[s], o1.at[pl.ds(wbase + c * CHUNK, CHUNK)])

    fire(0, 0)
    fire(1, 1)

    def pair(p, _):
        c = 2 * p
        drain(0)
        writeback(c, 0)
        fire(c + 2, 0)
        drain(1)
        writeback(c + 1, 1)
        fire(c + 3, 1)
        return _

    lax.fori_loop(0, N_CHUNKS // 2 - 1, pair, None)
    drain(0)
    writeback(N_CHUNKS - 2, 0)
    drain(1)
    writeback(N_CHUNKS - 1, 1)


def _sc_gather(ids, id_tab):
    mesh = plsc.VectorSubcoreMesh(core_axis_name="c", subcore_axis_name="s")
    f = pl.kernel(
        _sc_gather_body,
        out_type=jax.ShapeDtypeStruct((N, EMB), jnp.float32),
        mesh=mesh,
        scratch_types=[
            pltpu.VMEM((TOK_PER_W,), jnp.int32),
            pltpu.VMEM((CHUNK, EMB), jnp.float32),
            pltpu.VMEM((CHUNK, EMB), jnp.float32),
            pltpu.SemaphoreType.DMA,
            pltpu.SemaphoreType.DMA,
        ],
    )
    return f(ids, id_tab)


def _tc_body(x1, catb, posb, ct, pt, w1, w2, w3, bb, lw, lb, o):
    cat = catb[0, 0, :].reshape(TB, 1)
    pos = posb[0, 0, :].reshape(TB, 1)
    oh_c = (lax.broadcasted_iota(jnp.int32, (TB, CAT), 1) == cat).astype(jnp.bfloat16)
    oh_p = (lax.broadcasted_iota(jnp.int32, (TB, MAXPOS), 1) == pos).astype(jnp.bfloat16)
    x2 = jnp.dot(oh_c, ct[...],
                 preferred_element_type=jnp.float32).astype(jnp.bfloat16)
    x3 = jnp.dot(oh_p, pt[...],
                 preferred_element_type=jnp.float32).astype(jnp.bfloat16)
    acc = jnp.dot(x1[...], w1[...], preferred_element_type=jnp.float32)
    acc += jnp.dot(x2, w2[...], preferred_element_type=jnp.float32)
    acc += jnp.dot(x3, w3[...], preferred_element_type=jnp.float32)
    acc += bb[...]
    m = jnp.mean(acc, axis=-1, keepdims=True)
    d = acc - m
    v = jnp.mean(d * d, axis=-1, keepdims=True)
    o[...] = d * (lax.rsqrt(v + EPS) * lw[...]) + lb[...]


def _tc_linear_ln(x1, cats, poss, cat_tab, pos_tab, Wt, b, ln_w, ln_b):
    Wtb = Wt.astype(jnp.bfloat16)
    grid = (N // TB,)
    xspec = pl.BlockSpec((TB, EMB), lambda i: (i, 0))
    ispec = pl.BlockSpec((1, 1, TB), lambda i: (i, 0, 0))
    wspec = pl.BlockSpec((EMB, HID), lambda i: (0, 0))
    vspec = pl.BlockSpec((1, HID), lambda i: (0, 0))
    return pl.pallas_call(
        _tc_body,
        grid=grid,
        in_specs=[
            xspec, ispec, ispec,
            pl.BlockSpec((CAT, EMB), lambda i: (0, 0)),
            pl.BlockSpec((MAXPOS, EMB), lambda i: (0, 0)),
            wspec, wspec, wspec, vspec, vspec, vspec,
        ],
        out_specs=pl.BlockSpec((TB, HID), lambda i: (i, 0)),
        out_shape=jax.ShapeDtypeStruct((N, HID), jnp.float32),
    )(x1, cats.reshape(N // TB, 1, TB), poss.reshape(N // TB, 1, TB),
      cat_tab.astype(jnp.bfloat16), pos_tab.astype(jnp.bfloat16),
      Wt[:EMB], Wtb[EMB:2 * EMB], Wtb[2 * EMB:], b.reshape(1, HID),
      ln_w.reshape(1, HID), ln_b.reshape(1, HID))


def kernel(input_ids, category_ids, position_ids, id_table, cat_table,
           pos_table, W, b, ln_w, ln_b):
    ids = input_ids.reshape(-1).astype(jnp.int32)
    cats = category_ids.reshape(-1).astype(jnp.int32)
    poss = position_ids.reshape(-1).astype(jnp.int32)
    e1 = _sc_gather(ids, id_table)
    out = _tc_linear_ln(e1, cats, poss, cat_table, pos_table, W.T, b, ln_w, ln_b)
    return out.reshape(B, S, HID)

# --- scband reference (transcript-rebuilt; emitter-appended) ---
"""Pipeline reference for scband-encoder-embeddings-32169305047285 (READ-ONLY COPY).

The authoritative reference and input builder live on the scoring server;
editing this copy changes nothing except your own understanding.
"""

import jax, jax.numpy as jnp
import numpy as np

VOCAB = 100000
CAT = 1000
MAXPOS = 200
EMB = 128
HID = 512
B = 1024
S = 200
EPS = 1e-12


def setup_inputs(seed: int = 0) -> dict:
    key = jax.random.key(seed)
    k = jax.random.split(key, 10)
    input_ids = jax.random.randint(k[0], (B, S), 0, VOCAB, dtype=jnp.int64 if jax.config.jax_enable_x64 else jnp.int32)
    category_ids = jax.random.randint(k[1], (B, S), 0, CAT, dtype=input_ids.dtype)
    position_ids = jax.random.randint(k[2], (B, S), 0, MAXPOS, dtype=input_ids.dtype)
    id_table = jax.random.normal(k[3], (VOCAB, EMB), dtype=jnp.float32)
    id_table = id_table.at[0].set(0.0)  # padding_idx=0
    cat_table = jax.random.normal(k[4], (CAT, EMB), dtype=jnp.float32)
    cat_table = cat_table.at[0].set(0.0)  # padding_idx=0
    pos_table = jax.random.normal(k[5], (MAXPOS, EMB), dtype=jnp.float32)
    W = jax.random.normal(k[6], (HID, 3 * EMB), dtype=jnp.float32) * (1.0 / np.sqrt(3 * EMB))
    b = jax.random.normal(k[7], (HID,), dtype=jnp.float32) * 0.01
    ln_w = jnp.ones((HID,), dtype=jnp.float32)
    ln_b = jnp.zeros((HID,), dtype=jnp.float32)
    return {
        "input_ids": input_ids,
        "category_ids": category_ids,
        "position_ids": position_ids,
        "id_table": id_table,
        "cat_table": cat_table,
        "pos_table": pos_table,
        "W": W,
        "b": b,
        "ln_w": ln_w,
        "ln_b": ln_b,
    }


def _layer_norm(x, w, bb, eps=EPS):
    m = jnp.mean(x, axis=-1, keepdims=True)
    v = jnp.mean((x - m) ** 2, axis=-1, keepdims=True)
    return (x - m) / jnp.sqrt(v + eps) * w + bb


def reference(input_ids, category_ids, position_ids, id_table, cat_table, pos_table, W, b, ln_w, ln_b):
    inputs_embeds = jnp.take(id_table, input_ids, axis=0)
    category_embeddings = jnp.take(cat_table, category_ids, axis=0)
    position_embeddings = jnp.take(pos_table, position_ids, axis=0)
    embeddings = jnp.concatenate([inputs_embeds, category_embeddings, position_embeddings], axis=-1)
    embeddings = jnp.einsum('bse,he->bsh', embeddings, W) + b
    embeddings = _layer_norm(embeddings, ln_w, ln_b)
    # dropout p=0.0 / eval mode -> identity
    return embeddings

if __name__ == "__main__":
    import jax
    _d = setup_inputs()
    print(jax.jit(kernel)(*tuple(_d.values())))

</pallas_src>

<mosaic_0001>
#map = affine_map<(d0, d1) -> (0)>
#map1 = affine_map<(d0, d1) -> (0, 0)>
module attributes {stable_mosaic.version = 14 : i64} {
  func.func @_sc_gather_body(%arg0: i32, %arg1: i32, %arg2: memref<204800xi32, #tpu.memory_space<hbm>>, %arg3: memref<100000x128xf32, #tpu.memory_space<hbm>>, %arg4: memref<204800x128xf32, #tpu.memory_space<hbm>>, %arg5: memref<6400xi32, #tpu.memory_space<vmem>>, %arg6: memref<128x128xf32, #tpu.memory_space<vmem>>, %arg7: memref<128x128xf32, #tpu.memory_space<vmem>>, %arg8: memref<!tpu.dma_semaphore, #tpu.memory_space<semaphore_mem>>, %arg9: memref<!tpu.dma_semaphore, #tpu.memory_space<semaphore_mem>>) attributes {dimension_semantics = [#tpu.dimension_semantics<core_parallel>, #tpu.dimension_semantics<subcore_parallel>], iteration_bounds = array<i64: 2, 16>, scalar_prefetch = 0 : i64, scratch_operands = 5 : i64, tpu.core_type = #tpu.core_type<sc_vector_subcore>, window_params = [{transform_indices = #map}, {transform_indices = #map1}, {transform_indices = #map1}]} {
    %mul3A = arith.constant 2 : i32
    %mul3A_0 = arith.muli %arg1, %mul3A : i32
    %add3A = arith.addi %mul3A_0, %arg0 : i32
    %mul3A_1 = arith.constant 6400 : i32
    %mul3A_2 = arith.muli %add3A, %mul3A_1 : i32
    "tpu.region"() ({
      %run_scoped3A = tpu.sem_alloc : memref<!tpu.dma_semaphore, #tpu.memory_space<semaphore_mem>>
      %dma_start3A_31 = tpu.memref_slice %arg2[%mul3A_2] : memref<204800xi32, #tpu.memory_space<hbm>> -> memref<6400xi32, #tpu.memory_space<hbm>>
      %dma_start3A_32 = tpu.memref_slice %arg2[%mul3A_2] : memref<204800xi32, #tpu.memory_space<hbm>> -> memref<6400xi32, #tpu.memory_space<hbm>>
      tpu.enqueue_dma source(%dma_start3A_32 : memref<6400xi32, #tpu.memory_space<hbm>>) target(%arg5 : memref<6400xi32, #tpu.memory_space<vmem>>) target_semaphore(%run_scoped3A : memref<!tpu.dma_semaphore, #tpu.memory_space<semaphore_mem>>)
      %dma_wait3A_33 = tpu.memref_slice %arg2[%mul3A_2] : memref<204800xi32, #tpu.memory_space<hbm>> -> memref<6400xi32, #tpu.memory_space<hbm>>
      %dma_wait3A_34 = tpu.memref_slice %arg2[%mul3A_2] : memref<204800xi32, #tpu.memory_space<hbm>> -> memref<6400xi32, #tpu.memory_space<hbm>>
      tpu.wait_dma2 semaphore(%run_scoped3A : memref<!tpu.dma_semaphore, #tpu.memory_space<semaphore_mem>>) src(%dma_wait3A_34 : memref<6400xi32, #tpu.memory_space<hbm>>) dst(%arg5 : memref<6400xi32, #tpu.memory_space<vmem>>)
      tpu.yield
    }) : () -> ()
    %dma_start3A = arith.constant 0 : i32
    %dma_start3A_3 = tpu.memref_slice %arg5[%dma_start3A] : memref<6400xi32, #tpu.memory_space<vmem>> -> memref<128xi32, #tpu.memory_space<vmem>>
    %dma_start3A_4 = arith.constant 0 : i32
    %dma_start3A_5 = arith.constant 0 : i32
    %dma_start3A_6 = tpu.memref_slice %arg3[%dma_start3A_4, %dma_start3A_5] : memref<100000x128xf32, #tpu.memory_space<hbm>> -> memref<100000x128xf32, #tpu.memory_space<hbm>>
    tpu.enqueue_indirect_dma source(%dma_start3A_6 : memref<100000x128xf32, #tpu.memory_space<hbm>>) target(%arg6 : memref<128x128xf32, #tpu.memory_space<vmem>>) offsets(%dma_start3A_3 : memref<128xi32, #tpu.memory_space<vmem>>) semaphore(%arg8 : memref<!tpu.dma_semaphore, #tpu.memory_space<semaphore_mem>>)
    %dma_start3A_7 = arith.constant 128 : i32
    %dma_start3A_8 = tpu.memref_slice %arg5[%dma_start3A_7] : memref<6400xi32, #tpu.memory_space<vmem>> -> memref<128xi32, #tpu.memory_space<vmem>>
    %dma_start3A_9 = arith.constant 0 : i32
    %dma_start3A_10 = arith.constant 0 : i32
    %dma_start3A_11 = tpu.memref_slice %arg3[%dma_start3A_9, %dma_start3A_10] : memref<100000x128xf32, #tpu.memory_space<hbm>> -> memref<100000x128xf32, #tpu.memory_space<hbm>>
    tpu.enqueue_indirect_dma source(%dma_start3A_11 : memref<100000x128xf32, #tpu.memory_space<hbm>>) target(%arg7 : memref<128x128xf32, #tpu.memory_space<vmem>>) offsets(%dma_start3A_8 : memref<128xi32, #tpu.memory_space<vmem>>) semaphore(%arg9 : memref<!tpu.dma_semaphore, #tpu.memory_space<semaphore_mem>>)
    %scan3A = arith.constant 0 : i32
    %scan3A_12 = arith.constant 24 : i32
    %scan3A_13 = arith.addi %scan3A, %scan3A_12 : i32
    %scan3A_14 = arith.constant 1 : i32
    scf.for %scan3A_31 = %scan3A to %scan3A_13 step %scan3A_14  : i32 {
      %mul3A_32 = arith.constant 2 : i32
      %mul3A_33 = arith.muli %mul3A_32, %scan3A_31 : i32
      %dma_wait3A_34 = arith.constant 0 : i32
      %dma_wait3A_35 = arith.constant 0 : i32
      %dma_wait3A_36 = tpu.memref_slice %arg4[%dma_wait3A_34, %dma_wait3A_35] : memref<204800x128xf32, #tpu.memory_space<hbm>> -> memref<128x128xf32, #tpu.memory_space<hbm>>
      %dma_wait3A_37 = arith.constant 0 : i32
      %dma_wait3A_38 = arith.constant 0 : i32
      %dma_wait3A_39 = tpu.memref_slice %arg4[%dma_wait3A_37, %dma_wait3A_38] : memref<204800x128xf32, #tpu.memory_space<hbm>> -> memref<128x128xf32, #tpu.memory_space<hbm>>
      tpu.wait_dma2 semaphore(%arg8 : memref<!tpu.dma_semaphore, #tpu.memory_space<semaphore_mem>>) src(%dma_wait3A_39 : memref<128x128xf32, #tpu.memory_space<hbm>>) dst(%arg6 : memref<128x128xf32, #tpu.memory_space<vmem>>)
      %mul3A_40 = arith.constant 128 : i32
      %mul3A_41 = arith.muli %mul3A_33, %mul3A_40 : i32
      %add3A_42 = arith.addi %mul3A_2, %mul3A_41 : i32
      "tpu.region"() ({
        %run_scoped3A = tpu.sem_alloc : memref<!tpu.dma_semaphore, #tpu.memory_space<semaphore_mem>>
        %dma_start3A_70 = arith.constant 0 : i32
        %dma_start3A_71 = tpu.memref_slice %arg4[%add3A_42, %dma_start3A_70] : memref<204800x128xf32, #tpu.memory_space<hbm>> -> memref<128x128xf32, #tpu.memory_space<hbm>>
        %dma_start3A_72 = arith.constant 0 : i32
        %dma_start3A_73 = tpu.memref_slice %arg4[%add3A_42, %dma_start3A_72] : memref<204800x128xf32, #tpu.memory_space<hbm>> -> memref<128x128xf32, #tpu.memory_space<hbm>>
        tpu.enqueue_dma source(%arg6 : memref<128x128xf32, #tpu.memory_space<vmem>>) target(%dma_start3A_73 : memref<128x128xf32, #tpu.memory_space<hbm>>) target_semaphore(%run_scoped3A : memref<!tpu.dma_semaphore, #tpu.memory_space<semaphore_mem>>)
        %dma_wait3A_74 = arith.constant 0 : i32
        %dma_wait3A_75 = tpu.memref_slice %arg4[%add3A_42, %dma_wait3A_74] : memref<204800x128xf32, #tpu.memory_space<hbm>> -> memref<128x128xf32, #tpu.memory_space<hbm>>
        %dma_wait3A_76 = arith.constant 0 : i32
        %dma_wait3A_77 = tpu.memref_slice %arg4[%add3A_42, %dma_wait3A_76] : memref<204800x128xf32, #tpu.memory_space<hbm>> -> memref<128x128xf32, #tpu.memory_space<hbm>>
        tpu.wait_dma2 semaphore(%run_scoped3A : memref<!tpu.dma_semaphore, #tpu.memory_space<semaphore_mem>>) src(%arg6 : memref<128x128xf32, #tpu.memory_space<vmem>>) dst(%dma_wait3A_77 : memref<128x128xf32, #tpu.memory_space<hbm>>)
        tpu.yield
      }) : () -> ()
      %add3A_43 = arith.constant 2 : i32
      %add3A_44 = arith.addi %mul3A_33, %add3A_43 : i32
      %mul3A_45 = arith.constant 128 : i32
      %mul3A_46 = arith.muli %add3A_44, %mul3A_45 : i32
      %dma_start3A_47 = tpu.memref_slice %arg5[%mul3A_46] : memref<6400xi32, #tpu.memory_space<vmem>> -> memref<128xi32, #tpu.memory_space<vmem>>
      %dma_start3A_48 = arith.constant 0 : i32
      %dma_start3A_49 = arith.constant 0 : i32
      %dma_start3A_50 = tpu.memref_slice %arg3[%dma_start3A_48, %dma_start3A_49] : memref<100000x128xf32, #tpu.memory_space<hbm>> -> memref<100000x128xf32, #tpu.memory_space<hbm>>
      tpu.enqueue_indirect_dma source(%dma_start3A_50 : memref<100000x128xf32, #tpu.memory_space<hbm>>) target(%arg6 : memref<128x128xf32, #tpu.memory_space<vmem>>) offsets(%dma_start3A_47 : memref<128xi32, #tpu.memory_space<vmem>>) semaphore(%arg8 : memref<!tpu.dma_semaphore, #tpu.memory_space<semaphore_mem>>)
      %dma_wait3A_51 = arith.constant 0 : i32
      %dma_wait3A_52 = arith.constant 0 : i32
      %dma_wait3A_53 = tpu.memref_slice %arg4[%dma_wait3A_51, %dma_wait3A_52] : memref<204800x128xf32, #tpu.memory_space<hbm>> -> memref<128x128xf32, #tpu.memory_space<hbm>>
      %dma_wait3A_54 = arith.constant 0 : i32
      %dma_wait3A_55 = arith.constant 0 : i32
      %dma_wait3A_56 = tpu.memref_slice %arg4[%dma_wait3A_54, %dma_wait3A_55] : memref<204800x128xf32, #tpu.memory_space<hbm>> -> memref<128x128xf32, #tpu.memory_space<hbm>>
      tpu.wait_dma2 semaphore(%arg9 : memref<!tpu.dma_semaphore, #tpu.memory_space<semaphore_mem>>) src(%dma_wait3A_56 : memref<128x128xf32, #tpu.memory_space<hbm>>) dst(%arg7 : memref<128x128xf32, #tpu.memory_space<vmem>>)
      %add3A_57 = arith.constant 1 : i32
      %add3A_58 = arith.addi %mul3A_33, %add3A_57 : i32
      %mul3A_59 = arith.constant 128 : i32
      %mul3A_60 = arith.muli %add3A_58, %mul3A_59 : i32
      %add3A_61 = arith.addi %mul3A_2, %mul3A_60 : i32
      "tpu.region"() ({
        %run_scoped3A = tpu.sem_alloc : memref<!tpu.dma_semaphore, #tpu.memory_space<semaphore_mem>>
        %dma_start3A_70 = arith.constant 0 : i32
        %dma_start3A_71 = tpu.memref_slice %arg4[%add3A_61, %dma_start3A_70] : memref<204800x128xf32, #tpu.memory_space<hbm>> -> memref<128x128xf32, #tpu.memory_space<hbm>>
        %dma_start3A_72 = arith.constant 0 : i32
        %dma_start3A_73 = tpu.memref_slice %arg4[%add3A_61, %dma_start3A_72] : memref<204800x128xf32, #tpu.memory_space<hbm>> -> memref<128x128xf32, #tpu.memory_space<hbm>>
        tpu.enqueue_dma source(%arg7 : memref<128x128xf32, #tpu.memory_space<vmem>>) target(%dma_start3A_73 : memref<128x128xf32, #tpu.memory_space<hbm>>) target_semaphore(%run_scoped3A : memref<!tpu.dma_semaphore, #tpu.memory_space<semaphore_mem>>)
        %dma_wait3A_74 = arith.constant 0 : i32
        %dma_wait3A_75 = tpu.memref_slice %arg4[%add3A_61, %dma_wait3A_74] : memref<204800x128xf32, #tpu.memory_space<hbm>> -> memref<128x128xf32, #tpu.memory_space<hbm>>
        %dma_wait3A_76 = arith.constant 0 : i32
        %dma_wait3A_77 = tpu.memref_slice %arg4[%add3A_61, %dma_wait3A_76] : memref<204800x128xf32, #tpu.memory_space<hbm>> -> memref<128x128xf32, #tpu.memory_space<hbm>>
        tpu.wait_dma2 semaphore(%run_scoped3A : memref<!tpu.dma_semaphore, #tpu.memory_space<semaphore_mem>>) src(%arg7 : memref<128x128xf32, #tpu.memory_space<vmem>>) dst(%dma_wait3A_77 : memref<128x128xf32, #tpu.memory_space<hbm>>)
        tpu.yield
      }) : () -> ()
      %add3A_62 = arith.constant 3 : i32
      %add3A_63 = arith.addi %mul3A_33, %add3A_62 : i32
      %mul3A_64 = arith.constant 128 : i32
      %mul3A_65 = arith.muli %add3A_63, %mul3A_64 : i32
      %dma_start3A_66 = tpu.memref_slice %arg5[%mul3A_65] : memref<6400xi32, #tpu.memory_space<vmem>> -> memref<128xi32, #tpu.memory_space<vmem>>
      %dma_start3A_67 = arith.constant 0 : i32
      %dma_start3A_68 = arith.constant 0 : i32
      %dma_start3A_69 = tpu.memref_slice %arg3[%dma_start3A_67, %dma_start3A_68] : memref<100000x128xf32, #tpu.memory_space<hbm>> -> memref<100000x128xf32, #tpu.memory_space<hbm>>
      tpu.enqueue_indirect_dma source(%dma_start3A_69 : memref<100000x128xf32, #tpu.memory_space<hbm>>) target(%arg7 : memref<128x128xf32, #tpu.memory_space<vmem>>) offsets(%dma_start3A_66 : memref<128xi32, #tpu.memory_space<vmem>>) semaphore(%arg9 : memref<!tpu.dma_semaphore, #tpu.memory_space<semaphore_mem>>)
    }
    %scan3A_15 = arith.constant 24 : i32
    %dma_wait3A = arith.constant 0 : i32
    %dma_wait3A_16 = arith.constant 0 : i32
    %dma_wait3A_17 = tpu.memref_slice %arg4[%dma_wait3A, %dma_wait3A_16] : memref<204800x128xf32, #tpu.memory_space<hbm>> -> memref<128x128xf32, #tpu.memory_space<hbm>>
    %dma_wait3A_18 = arith.constant 0 : i32
    %dma_wait3A_19 = arith.constant 0 : i32
    %dma_wait3A_20 = tpu.memref_slice %arg4[%dma_wait3A_18, %dma_wait3A_19] : memref<204800x128xf32, #tpu.memory_space<hbm>> -> memref<128x128xf32, #tpu.memory_space<hbm>>
    tpu.wait_dma2 semaphore(%arg8 : memref<!tpu.dma_semaphore, #tpu.memory_space<semaphore_mem>>) src(%dma_wait3A_20 : memref<128x128xf32, #tpu.memory_space<hbm>>) dst(%arg6 : memref<128x128xf32, #tpu.memory_space<vmem>>)
    %add3A_21 = arith.constant 6144 : i32
    %add3A_22 = arith.addi %mul3A_2, %add3A_21 : i32
    "tpu.region"() ({
      %run_scoped3A = tpu.sem_alloc : memref<!tpu.dma_semaphore, #tpu.memory_space<semaphore_mem>>
      %dma_start3A_31 = arith.constant 0 : i32
      %dma_start3A_32 = tpu.memref_slice %arg4[%add3A_22, %dma_start3A_31] : memref<204800x128xf32, #tpu.memory_space<hbm>> -> memref<128x128xf32, #tpu.memory_space<hbm>>
      %dma_start3A_33 = arith.constant 0 : i32
      %dma_start3A_34 = tpu.memref_slice %arg4[%add3A_22, %dma_start3A_33] : memref<204800x128xf32, #tpu.memory_space<hbm>> -> memref<128x128xf32, #tpu.memory_space<hbm>>
      tpu.enqueue_dma source(%arg6 : memref<128x128xf32, #tpu.memory_space<vmem>>) target(%dma_start3A_34 : memref<128x128xf32, #tpu.memory_space<hbm>>) target_semaphore(%run_scoped3A : memref<!tpu.dma_semaphore, #tpu.memory_space<semaphore_mem>>)
      %dma_wait3A_35 = arith.constant 0 : i32
      %dma_wait3A_36 = tpu.memref_slice %arg4[%add3A_22, %dma_wait3A_35] : memref<204800x128xf32, #tpu.memory_space<hbm>> -> memref<128x128xf32, #tpu.memory_space<hbm>>
      %dma_wait3A_37 = arith.constant 0 : i32
      %dma_wait3A_38 = tpu.memref_slice %arg4[%add3A_22, %dma_wait3A_37] : memref<204800x128xf32, #tpu.memory_space<hbm>> -> memref<128x128xf32, #tpu.memory_space<hbm>>
      tpu.wait_dma2 semaphore(%run_scoped3A : memref<!tpu.dma_semaphore, #tpu.memory_space<semaphore_mem>>) src(%arg6 : memref<128x128xf32, #tpu.memory_space<vmem>>) dst(%dma_wait3A_38 : memref<128x128xf32, #tpu.memory_space<hbm>>)
      tpu.yield
    }) : () -> ()
    %dma_wait3A_23 = arith.constant 0 : i32
    %dma_wait3A_24 = arith.constant 0 : i32
    %dma_wait3A_25 = tpu.memref_slice %arg4[%dma_wait3A_23, %dma_wait3A_24] : memref<204800x128xf32, #tpu.memory_space<hbm>> -> memref<128x128xf32, #tpu.memory_space<hbm>>
    %dma_wait3A_26 = arith.constant 0 : i32
    %dma_wait3A_27 = arith.constant 0 : i32
    %dma_wait3A_28 = tpu.memref_slice %arg4[%dma_wait3A_26, %dma_wait3A_27] : memref<204800x128xf32, #tpu.memory_space<hbm>> -> memref<128x128xf32, #tpu.memory_space<hbm>>
    tpu.wait_dma2 semaphore(%arg9 : memref<!tpu.dma_semaphore, #tpu.memory_space<semaphore_mem>>) src(%dma_wait3A_28 : memref<128x128xf32, #tpu.memory_space<hbm>>) dst(%arg7 : memref<128x128xf32, #tpu.memory_space<vmem>>)
    %add3A_29 = arith.constant 6272 : i32
    %add3A_30 = arith.addi %mul3A_2, %add3A_29 : i32
    "tpu.region"() ({
      %run_scoped3A = tpu.sem_alloc : memref<!tpu.dma_semaphore, #tpu.memory_space<semaphore_mem>>
      %dma_start3A_31 = arith.constant 0 : i32
      %dma_start3A_32 = tpu.memref_slice %arg4[%add3A_30, %dma_start3A_31] : memref<204800x128xf32, #tpu.memory_space<hbm>> -> memref<128x128xf32, #tpu.memory_space<hbm>>
      %dma_start3A_33 = arith.constant 0 : i32
      %dma_start3A_34 = tpu.memref_slice %arg4[%add3A_30, %dma_start3A_33] : memref<204800x128xf32, #tpu.memory_space<hbm>> -> memref<128x128xf32, #tpu.memory_space<hbm>>
      tpu.enqueue_dma source(%arg7 : memref<128x128xf32, #tpu.memory_space<vmem>>) target(%dma_start3A_34 : memref<128x128xf32, #tpu.memory_space<hbm>>) target_semaphore(%run_scoped3A : memref<!tpu.dma_semaphore, #tpu.memory_space<semaphore_mem>>)
      %dma_wait3A_35 = arith.constant 0 : i32
      %dma_wait3A_36 = tpu.memref_slice %arg4[%add3A_30, %dma_wait3A_35] : memref<204800x128xf32, #tpu.memory_space<hbm>> -> memref<128x128xf32, #tpu.memory_space<hbm>>
      %dma_wait3A_37 = arith.constant 0 : i32
      %dma_wait3A_38 = tpu.memref_slice %arg4[%add3A_30, %dma_wait3A_37] : memref<204800x128xf32, #tpu.memory_space<hbm>> -> memref<128x128xf32, #tpu.memory_space<hbm>>
      tpu.wait_dma2 semaphore(%run_scoped3A : memref<!tpu.dma_semaphore, #tpu.memory_space<semaphore_mem>>) src(%arg7 : memref<128x128xf32, #tpu.memory_space<vmem>>) dst(%dma_wait3A_38 : memref<128x128xf32, #tpu.memory_space<hbm>>)
      tpu.yield
    }) : () -> ()
    return
  }
}

module attributes {stable_mosaic.version = 14 : i64} {
  func.func @_tc_body(%arg0: i32, %arg1: memref<4096x128xf32, #tpu.memory_space<vmem>>, %arg2: memref<1x1x4096xi32, #tpu.memory_space<vmem>>, %arg3: memref<1x1x4096xi32, #tpu.memory_space<vmem>>, %arg4: memref<1000x128xbf16, #tpu.memory_space<vmem>>, %arg5: memref<200x128xbf16, #tpu.memory_space<vmem>>, %arg6: memref<128x512xf32, #tpu.memory_space<vmem>>, %arg7: memref<128x512xbf16, #tpu.memory_space<vmem>>, %arg8: memref<128x512xbf16, #tpu.memory_space<vmem>>, %arg9: memref<1x512xf32, #tpu.memory_space<vmem>>, %arg10: memref<1x512xf32, #tpu.memory_space<vmem>>, %arg11: memref<1x512xf32, #tpu.memory_space<vmem>>, %arg12: memref<4096x512xf32, #tpu.memory_space<vmem>>) attributes {dimension_semantics = [#tpu.dimension_semantics<arbitrary>], iteration_bounds = array<i64: 50>, scalar_prefetch = 0 : i64, scratch_operands = 0 : i64, tpu.core_type = #tpu.core_type<tc>, window_params = [{transform_indices = @transform_0, window_bounds = array<i64: 4096, 128>}, {transform_indices = @transform_1, window_bounds = array<i64: 1, 1, 4096>}, {transform_indices = @transform_2, window_bounds = array<i64: 1, 1, 4096>}, {pipeline_mode = #tpu.pipeline_mode<synchronous>, transform_indices = @transform_3, window_bounds = array<i64: 1000, 128>}, {pipeline_mode = #tpu.pipeline_mode<synchronous>, transform_indices = @transform_4, window_bounds = array<i64: 200, 128>}, {pipeline_mode = #tpu.pipeline_mode<synchronous>, transform_indices = @transform_5, window_bounds = array<i64: 128, 512>}, {pipeline_mode = #tpu.pipeline_mode<synchronous>, transform_indices = @transform_6, window_bounds = array<i64: 128, 512>}, {pipeline_mode = #tpu.pipeline_mode<synchronous>, transform_indices = @transform_7, window_bounds = array<i64: 128, 512>}, {pipeline_mode = #tpu.pipeline_mode<synchronous>, transform_indices = @transform_8, window_bounds = array<i64: 1, 512>}, {pipeline_mode = #tpu.pipeline_mode<synchronous>, transform_indices = @transform_9, window_bounds = array<i64: 1, 512>}, {pipeline_mode = #tpu.pipeline_mode<synchronous>, transform_indices = @transform_10, window_bounds = array<i64: 1, 512>}, {transform_indices = @transform_11, window_bounds = array<i64: 4096, 512>}]} {
    %get3A = arith.constant 0 : index
    %get3A_0 = arith.constant 0 : index
    %get3A_1 = arith.constant 0 : index
    %get3A_2 = vector.load %arg2[%get3A, %get3A_0, %get3A_1] : memref<1x1x4096xi32, #tpu.memory_space<vmem>>, vector<1x1x4096xi32>
    %get3A_3 = vector.shape_cast %get3A_2 : vector<1x1x4096xi32> to vector<4096xi32>
    %reshape3A = vector.shape_cast %get3A_3 : vector<4096xi32> to vector<4096x1xi32>
    %get3A_4 = arith.constant 0 : index
    %get3A_5 = arith.constant 0 : index
    %get3A_6 = arith.constant 0 : index
    %get3A_7 = vector.load %arg3[%get3A_4, %get3A_5, %get3A_6] : memref<1x1x4096xi32, #tpu.memory_space<vmem>>, vector<1x1x4096xi32>
    %get3A_8 = vector.shape_cast %get3A_7 : vector<1x1x4096xi32> to vector<4096xi32>
    %reshape3A_9 = vector.shape_cast %get3A_8 : vector<4096xi32> to vector<4096x1xi32>
    %iota3A = tpu.iota {dimensions = array<i32: 1>} : vector<4096x1000xi32>
    %eq3A = vector.broadcast %reshape3A : vector<4096x1xi32> to vector<4096x1000xi32>
    %eq3A_10 = arith.cmpi eq, %iota3A, %eq3A : vector<4096x1000xi32>
    %convert_element_type3A = arith.extui %eq3A_10 : vector<4096x1000xi1> to vector<4096x1000xi32>
    %convert_element_type3A_11 = arith.sitofp %convert_element_type3A : vector<4096x1000xi32> to vector<4096x1000xf32>
    %convert_element_type3A_12 = arith.truncf %convert_element_type3A_11 : vector<4096x1000xf32> to vector<4096x1000xbf16>
    %iota3A_13 = tpu.iota {dimensions = array<i32: 1>} : vector<4096x200xi32>
    %eq3A_14 = vector.broadcast %reshape3A_9 : vector<4096x1xi32> to vector<4096x200xi32>
    %eq3A_15 = arith.cmpi eq, %iota3A_13, %eq3A_14 : vector<4096x200xi32>
    %convert_element_type3A_16 = arith.extui %eq3A_15 : vector<4096x200xi1> to vector<4096x200xi32>
    %convert_element_type3A_17 = arith.sitofp %convert_element_type3A_16 : vector<4096x200xi32> to vector<4096x200xf32>
    %convert_element_type3A_18 = arith.truncf %convert_element_type3A_17 : vector<4096x200xf32> to vector<4096x200xbf16>
    %get3A_19 = arith.constant 0 : index
    %get3A_20 = arith.constant 0 : index
    %get3A_21 = vector.load %arg4[%get3A_19, %get3A_20] : memref<1000x128xbf16, #tpu.memory_space<vmem>>, vector<1000x128xbf16>
    %dot_general3A = arith.constant dense<0.000000e+00> : vector<4096x128xf32>
    %dot_general3A_22 = tpu.matmul %convert_element_type3A_12, %get3A_21, %dot_general3A {dimension_numbers = #tpu.dot_dimension_numbers<[1], [0], [0], [1], [0, 0, 1, 1], [], []>, transpose_lhs_hint = false} : vector<4096x1000xbf16>, vector<1000x128xbf16>, vector<4096x128xf32> -> vector<4096x128xf32>
    %convert_element_type3A_23 = arith.truncf %dot_general3A_22 : vector<4096x128xf32> to vector<4096x128xbf16>
    %get3A_24 = arith.constant 0 : index
    %get3A_25 = arith.constant 0 : index
    %get3A_26 = vector.load %arg5[%get3A_24, %get3A_25] : memref<200x128xbf16, #tpu.memory_space<vmem>>, vector<200x128xbf16>
    %dot_general3A_27 = arith.constant dense<0.000000e+00> : vector<4096x128xf32>
    %dot_general3A_28 = tpu.matmul %convert_element_type3A_18, %get3A_26, %dot_general3A_27 {dimension_numbers = #tpu.dot_dimension_numbers<[1], [0], [0], [1], [0, 0, 1, 1], [], []>, transpose_lhs_hint = false} : vector<4096x200xbf16>, vector<200x128xbf16>, vector<4096x128xf32> -> vector<4096x128xf32>
    %convert_element_type3A_29 = arith.truncf %dot_general3A_28 : vector<4096x128xf32> to vector<4096x128xbf16>
    %get3A_30 = arith.constant 0 : index
    %get3A_31 = arith.constant 0 : index
    %get3A_32 = vector.load %arg1[%get3A_30, %get3A_31] : memref<4096x128xf32, #tpu.memory_space<vmem>>, vector<4096x128xf32>
    %get3A_33 = arith.constant 0 : index
    %get3A_34 = arith.constant 0 : index
    %get3A_35 = vector.load %arg6[%get3A_33, %get3A_34] : memref<128x512xf32, #tpu.memory_space<vmem>>, vector<128x512xf32>
    %dot_general3A_36 = arith.constant dense<0.000000e+00> : vector<4096x512xf32>
    %dot_general3A_37 = tpu.matmul %get3A_32, %get3A_35, %dot_general3A_36 {dimension_numbers = #tpu.dot_dimension_numbers<[1], [0], [0], [1], [0, 0, 1, 1], [], []>, transpose_lhs_hint = false} : vector<4096x128xf32>, vector<128x512xf32>, vector<4096x512xf32> -> vector<4096x512xf32>
    %get3A_38 = arith.constant 0 : index
    %get3A_39 = arith.constant 0 : index
    %get3A_40 = vector.load %arg7[%get3A_38, %get3A_39] : memref<128x512xbf16, #tpu.memory_space<vmem>>, vector<128x512xbf16>
    %dot_general3A_41 = arith.constant dense<0.000000e+00> : vector<4096x512xf32>
    %dot_general3A_42 = tpu.matmul %convert_element_type3A_23, %get3A_40, %dot_general3A_41 {dimension_numbers = #tpu.dot_dimension_numbers<[1], [0], [0], [1], [0, 0, 1, 1], [], []>, transpose_lhs_hint = false} : vector<4096x128xbf16>, vector<128x512xbf16>, vector<4096x512xf32> -> vector<4096x512xf32>
    %add3A = arith.addf %dot_general3A_37, %dot_general3A_42 : vector<4096x512xf32>
    %get3A_43 = arith.constant 0 : index
    %get3A_44 = arith.constant 0 : index
    %get3A_45 = vector.load %arg8[%get3A_43, %get3A_44] : memref<128x512xbf16, #tpu.memory_space<vmem>>, vector<128x512xbf16>
    %dot_general3A_46 = arith.constant dense<0.000000e+00> : vector<4096x512xf32>
    %dot_general3A_47 = tpu.matmul %convert_element_type3A_29, %get3A_45, %dot_general3A_46 {dimension_numbers = #tpu.dot_dimension_numbers<[1], [0], [0], [1], [0, 0, 1, 1], [], []>, transpose_lhs_hint = false} : vector<4096x128xbf16>, vector<128x512xbf16>, vector<4096x512xf32> -> vector<4096x512xf32>
    %add3A_48 = arith.addf %add3A, %dot_general3A_47 : vector<4096x512xf32>
    %get3A_49 = arith.constant 0 : index
    %get3A_50 = arith.constant 0 : index
    %get3A_51 = vector.load %arg9[%get3A_49, %get3A_50] : memref<1x512xf32, #tpu.memory_space<vmem>>, vector<1x512xf32>
    %add3A_52 = vector.broadcast %get3A_51 : vector<1x512xf32> to vector<4096x512xf32>
    %add3A_53 = arith.addf %add3A_48, %add3A_52 : vector<4096x512xf32>
    %reduce_sum3A = arith.constant dense<0.000000e+00> : vector<4096xf32>
    %reduce_sum3A_54 = vector.multi_reduction <add>, %add3A_53, %reduce_sum3A [1] : vector<4096x512xf32> to vector<4096xf32>
    %broadcast_in_dim3A = vector.shape_cast %reduce_sum3A_54 : vector<4096xf32> to vector<4096x1xf32>
    %div3A = arith.constant 5.120000e+02 : f32
    %div3A_55 = vector.broadcast %div3A : f32 to vector<4096x1xf32>
    %div3A_56 = arith.divf %broadcast_in_dim3A, %div3A_55 : vector<4096x1xf32>
    %sub3A = vector.broadcast %div3A_56 : vector<4096x1xf32> to vector<4096x512xf32>
    %sub3A_57 = arith.subf %add3A_53, %sub3A : vector<4096x512xf32>
    %mul3A = arith.mulf %sub3A_57, %sub3A_57 : vector<4096x512xf32>
    %reduce_sum3A_58 = arith.constant dense<0.000000e+00> : vector<4096xf32>
    %reduce_sum3A_59 = vector.multi_reduction <add>, %mul3A, %reduce_sum3A_58 [1] : vector<4096x512xf32> to vector<4096xf32>
    %broadcast_in_dim3A_60 = vector.shape_cast %reduce_sum3A_59 : vector<4096xf32> to vector<4096x1xf32>
    %div3A_61 = arith.constant 5.120000e+02 : f32
    %div3A_62 = vector.broadcast %div3A_61 : f32 to vector<4096x1xf32>
    %div3A_63 = arith.divf %broadcast_in_dim3A_60, %div3A_62 : vector<4096x1xf32>
    %add3A_64 = arith.constant 9.99999996E-13 : f32
    %add3A_65 = vector.broadcast %add3A_64 : f32 to vector<4096x1xf32>
    %add3A_66 = arith.addf %div3A_63, %add3A_65 : vector<4096x1xf32>
    %rsqrt3A = math.rsqrt %add3A_66 : vector<4096x1xf32>
    %get3A_67 = arith.constant 0 : index
    %get3A_68 = arith.constant 0 : index
    %get3A_69 = vector.load %arg10[%get3A_67, %get3A_68] : memref<1x512xf32, #tpu.memory_space<vmem>>, vector<1x512xf32>
    %mul3A_70 = vector.broadcast %rsqrt3A : vector<4096x1xf32> to vector<4096x512xf32>
    %mul3A_71 = vector.broadcast %get3A_69 : vector<1x512xf32> to vector<4096x512xf32>
    %mul3A_72 = arith.mulf %mul3A_70, %mul3A_71 : vector<4096x512xf32>
    %mul3A_73 = arith.mulf %sub3A_57, %mul3A_72 : vector<4096x512xf32>
    %get3A_74 = arith.constant 0 : index
    %get3A_75 = arith.constant 0 : index
    %get3A_76 = vector.load %arg11[%get3A_74, %get3A_75] : memref<1x512xf32, #tpu.memory_space<vmem>>, vector<1x512xf32>
    %add3A_77 = vector.broadcast %get3A_76 : vector<1x512xf32> to vector<4096x512xf32>
    %add3A_78 = arith.addf %mul3A_73, %add3A_77 : vector<4096x512xf32>
    %swap3A = arith.constant 0 : index
    %swap3A_79 = arith.constant 0 : index
    %swap3A_80 = vector.load %arg12[%swap3A, %swap3A_79] : memref<4096x512xf32, #tpu.memory_space<vmem>>, vector<4096x512xf32>
    tpu.vector_store %arg12[%swap3A, %swap3A_79], %add3A_78 {strides = array<i32>} : memref<4096x512xf32, #tpu.memory_space<vmem>>, vector<4096x512xf32>,
    return
  }
  func.func @transform_0(%arg0: i32) -> (i32, i32) {
    %c0_i32 = arith.constant 0 : i32
    %c0_i32_0 = arith.constant 0 : i32
    return %arg0, %c0_i32 : i32, i32
  }
  func.func @transform_1(%arg0: i32) -> (i32, i32, i32) {
    %c0_i32 = arith.constant 0 : i32
    %c0_i32_0 = arith.constant 0 : i32
    %c0_i32_1 = arith.constant 0 : i32
    return %arg0, %c0_i32, %c0_i32_0 : i32, i32, i32
  }
  func.func @transform_2(%arg0: i32) -> (i32, i32, i32) {
    %c0_i32 = arith.constant 0 : i32
    %c0_i32_0 = arith.constant 0 : i32
    %c0_i32_1 = arith.constant 0 : i32
    return %arg0, %c0_i32, %c0_i32_0 : i32, i32, i32
  }
  func.func @transform_3(%arg0: i32) -> (i32, i32) {
    %c0_i32 = arith.constant 0 : i32
    %c0_i32_0 = arith.constant 0 : i32
    %c0_i32_1 = arith.constant 0 : i32
    return %c0_i32, %c0_i32_0 : i32, i32
  }
  func.func @transform_4(%arg0: i32) -> (i32, i32) {
    %c0_i32 = arith.constant 0 : i32
    %c0_i32_0 = arith.constant 0 : i32
    %c0_i32_1 = arith.constant 0 : i32
    return %c0_i32, %c0_i32_0 : i32, i32
  }
  func.func @transform_5(%arg0: i32) -> (i32, i32) {
    %c0_i32 = arith.constant 0 : i32
    %c0_i32_0 = arith.constant 0 : i32
    %c0_i32_1 = arith.constant 0 : i32
    return %c0_i32, %c0_i32_0 : i32, i32
  }
  func.func @transform_6(%arg0: i32) -> (i32, i32) {
    %c0_i32 = arith.constant 0 : i32
    %c0_i32_0 = arith.constant 0 : i32
    %c0_i32_1 = arith.constant 0 : i32
    return %c0_i32, %c0_i32_0 : i32, i32
  }
  func.func @transform_7(%arg0: i32) -> (i32, i32) {
    %c0_i32 = arith.constant 0 : i32
    %c0_i32_0 = arith.constant 0 : i32
    %c0_i32_1 = arith.constant 0 : i32
    return %c0_i32, %c0_i32_0 : i32, i32
  }
  func.func @transform_8(%arg0: i32) -> (i32, i32) {
    %c0_i32 = arith.constant 0 : i32
    %c0_i32_0 = arith.constant 0 : i32
    %c0_i32_1 = arith.constant 0 : i32
    return %c0_i32, %c0_i32_0 : i32, i32
  }
  func.func @transform_9(%arg0: i32) -> (i32, i32) {
    %c0_i32 = arith.constant 0 : i32
    %c0_i32_0 = arith.constant 0 : i32
    %c0_i32_1 = arith.constant 0 : i32
    return %c0_i32, %c0_i32_0 : i32, i32
  }
  func.func @transform_10(%arg0: i32) -> (i32, i32) {
    %c0_i32 = arith.constant 0 : i32
    %c0_i32_0 = arith.constant 0 : i32
    %c0_i32_1 = arith.constant 0 : i32
    return %c0_i32, %c0_i32_0 : i32, i32
  }
  func.func @transform_11(%arg0: i32) -> (i32, i32) {
    %c0_i32 = arith.constant 0 : i32
    %c0_i32_0 = arith.constant 0 : i32
    return %arg0, %c0_i32 : i32, i32
  }
}

</mosaic_0001>

<sc_bundles>
// kernel: kernel.4.cloned.1.call-start
scs
__scs_entry_jumppad:
0x0: {  	(pc) =	sbr.rel $0x88, $3  }
0x1: {  	(tag) =	ssettag $0x0;
	lr =	simm.s32 $0x1  }
0x2: {  	[smem:$0x3F97] =	sst lr;
	_ =	strace $0xD0000000  }
0x3: {  	_ = 	snop  }
0x4: {  	_ = 	snop  }
0x5: {  	_ = 	snop  }
0x6: {  	_ = 	snop  }
0x7: {  	_ = 	snop  }
__scs_overlays_trampoline_lowered:
0x8: {  	[smem:$0x3FA6] =	sst s0  }
0x9: {  	[smem:$0x3FA7] =	sst s1  }
0xa: {  	[smem:$0x3FA8] =	sst s2  }
0xb: {  	[smem:$0x3FA9] =	sst s3  }
0xc: {  	[smem:$0x3FAA] =	sst s4  }
0xd: {  	[smem:$0x3FAB] =	sst s5  }
0xe: {  	[smem:$0x3FAC] =	sst s6  }
0xf: {  	[smem:$0x3FAD] =	sst s7  }
0x10: {  	[smem:$0x3FAE] =	sst s8  }
0x11: {  	[smem:$0x3FAF] =	sst s9;
	s0 =	simm.s32 @!p0 $0x0  }
0x12: {  	s1 =	sld [smem:$0x3F95];
	s0 =	simm.s32 @p0 $0x1  }
0x13: {  	[smem:$0x3FB0] =	sst s0;
	s0 =	simm.s32 @!p1 $0x0  }
0x14: {  	s2 =	sld [smem:$0x3F94];
	s0 =	simm.s32 @p1 $0x1  }
0x15: {  	[smem:$0x3FB1] =	sst s0;
	s0 =	simm.s32 @!p2 $0x0  }
0x16: {  	s3 =	sld [smem:$0x3FDB];
	s0 =	simm.s32 @p2 $0x1  }
0x17: {  	s4 =	simm.s32 $0x1BF5;
	[smem:$0x3FB3] =	sst s0  }
0x18: {  	s0 =	sld [smem:$0x3F96];
	_ =	swait.ge [sflag:s4], $0x0  }
0x19: {  	s7 =	sld [smem:$0x3F97]  }
0x1a: {  	s8 =	sadd.s32 $0xFFFFE003, lr  }
0x1b: {  	s9 =	sadd.s32 $0xFFFFFEF7, lr;
	s5 =	simm.s32 $0xFFFFFFFF;
	p2 =	slt.u32 s8, $0xFFFFF086  }
0x1c: {  	p1 =	slt.u32 s9, $0xF7A;
	s5 =	simm.s32 @!p2 $0x0  }
0x1d: {  	s5 =	simm.s32 @p1 $0x1;
	p0 =	seq.s32 s7, s2  }
0x1e: {  	s7 =	smul.u32 @!p0 $0xF7A, s2;
	p2 =	seq.s32 @!p0 s5, $0x0  }
0x1f: {  	s9 =	smul.u32 $0xF7A, s1;
	s8 =	simm.s32 @!p0 $0x1BF5;
	p2 =	por !p2, p0  }
0x20: {  	[sflag:s8] =	ssyncset.s32 @!p0 $0xFFFFF086;
	s6 =	sadd.s32 @!p0 s3, s7;
	s7 =	simm.s32 @!p0 $0x108  }
0x21: {  	s3 =	sadd.s32 s3, s9;
	s6 =	sadd.s32 @!p0 $0x88, s6;
	s7 =	simm.s32 @p2 $0x1082  }
0x22: {  	[simem:s7], [sflag:s8] =	dma.local @!p0 [hbm:s6], $0xF7A  }
0x23: {  	s9 =	sor.u32 $0xD0000000, s2;
	s6 =	simm.s32 $0x108;
	_ =	swait.ge @!p0 [sflag:s8], $0x0  }
0x24: {  	s3 =	sadd.s32 $0x88, s3;
	s6 =	simm.s32 @!p1 $0x1082;
	[sflag:s4] =	ssyncset.s32 $0xFFFFF086  }
0x25: {  	[simem:s6], [sflag:s4] =	dma.local [hbm:s3], $0xF7A  }
0x26: {  	[smem:$0x3F97] =	sst s1;
	(tag) =	ssettag s2;
	_ =	strace s9  }
0x27: {  	s1 =	sld [smem:$0x3FA7]  }
0x28: {  	s2 =	sld [smem:$0x3FA8]  }
0x29: {  	s4 =	sld [smem:$0x3FAA]  }
0x2a: {  	p0 =	seq.s32 s5, $0x0;
	s5 =	sld [smem:$0x3FAB]  }
0x2b: {  	s6 =	sld [smem:$0x3FAC]  }
0x2c: {  	s7 =	sld [smem:$0x3FAD]  }
0x2d: {  	s3 =	simm.s32 $0x108;
	s8 =	sld [smem:$0x3FAE]  }
0x2e: {  	s3 =	simm.s32 @!p0 $0x1082;
	s9 =	sld [smem:$0x3FAF]  }
0x2f: {  	lr =	sadd.s32 s0, s3;
	s0 =	sld [smem:$0x3FA6]  }
0x30: {  	s3 =	sld [smem:$0x3FA9]  }
0x31: {  	[smem:$0x3FB2] =	sst s10  }
0x32: {  	s10 =	sld [smem:$0x3FB0];
	_ =	sdelay $0x3  }
0x33: {  	p0 =	seq.s32 s10, $0x1;
	s10 =	sld [smem:$0x3FB2];
	_ =	sdelay $0x3  }
0x34: {  	[smem:$0x3FB2] =	sst s10  }
0x35: {  	s10 =	sld [smem:$0x3FB1];
	_ =	sdelay $0x3  }
0x36: {  	p1 =	seq.s32 s10, $0x1;
	s10 =	sld [smem:$0x3FB2];
	_ =	sdelay $0x3  }
0x37: {  	[smem:$0x3FB2] =	sst s10  }
0x38: {  	s10 =	sld [smem:$0x3FB3]  }
0x39: {  	_ = 	snop;
	(pc) =	sbr.ind lr, $3  }
0x3a: {  	_ = 	snop  }
0x3b: {  	_ = 	snop  }
0x3c: {  	p2 =	seq.s32 s10, $0x1;
	s10 =	sld [smem:$0x3FB2]  }
0x3d: {  	_ =	shalt  }
0x3e: {  	_ =	shalt  }
0x3f: {  	_ =	shalt  }
0x40: {  	_ =	shalt  }
0x41: {  	_ =	shalt  }
0x42: {  	_ =	shalt  }
0x43: {  	_ =	shalt  }
0x44: {  	_ =	shalt  }
0x45: {  	_ =	shalt  }
0x46: {  	_ =	shalt  }
0x47: {  	_ =	shalt  }
0x48: {  	_ =	shalt  }
0x49: {  	_ =	shalt  }
0x4a: {  	_ =	shalt  }
0x4b: {  	_ =	shalt  }
0x4c: {  	_ =	shalt  }
0x4d: {  	_ =	shalt  }
0x4e: {  	_ =	shalt  }
0x4f: {  	_ =	shalt  }
0x50: {  	_ =	shalt  }
0x51: {  	_ =	shalt  }
0x52: {  	_ =	shalt  }
0x53: {  	_ =	shalt  }
0x54: {  	_ =	shalt  }
0x55: {  	_ =	shalt  }
0x56: {  	_ =	shalt  }
0x57: {  	_ =	shalt  }
0x58: {  	_ =	shalt  }
0x59: {  	_ =	shalt  }
0x5a: {  	_ =	shalt  }
0x5b: {  	_ =	shalt  }
0x5c: {  	_ =	shalt  }
0x5d: {  	_ =	shalt  }
0x5e: {  	_ =	shalt  }
0x5f: {  	_ =	shalt  }
0x60: {  	_ =	shalt  }
0x61: {  	_ =	shalt  }
0x62: {  	_ =	shalt  }
0x63: {  	_ =	shalt  }
0x64: {  	_ =	shalt  }
0x65: {  	_ =	shalt  }
0x66: {  	_ =	shalt  }
0x67: {  	_ =	shalt  }
0x68: {  	_ =	shalt  }
0x69: {  	_ =	shalt  }
0x6a: {  	_ =	shalt  }
0x6b: {  	_ =	shalt  }
0x6c: {  	_ =	shalt  }
0x6d: {  	_ =	shalt  }
0x6e: {  	_ =	shalt  }
0x6f: {  	_ =	shalt  }
0x70: {  	_ =	shalt  }
0x71: {  	_ =	shalt  }
0x72: {  	_ =	shalt  }
0x73: {  	_ =	shalt  }
0x74: {  	_ =	shalt  }
0x75: {  	_ =	shalt  }
0x76: {  	_ =	shalt  }
0x77: {  	_ =	shalt  }
0x78: {  	_ =	shalt  }
0x79: {  	_ =	shalt  }
0x7a: {  	_ =	shalt  }
0x7b: {  	_ =	shalt  }
0x7c: {  	_ =	shalt  }
0x7d: {  	_ =	shalt  }
0x7e: {  	_ =	shalt  }
0x7f: {  	_ =	shalt  }
0x80: {  	_ =	shalt  }
0x81: {  	_ =	shalt  }
0x82: {  	_ =	shalt  }
0x83: {  	_ =	shalt  }
0x84: {  	_ =	shalt  }
0x85: {  	_ =	shalt  }
0x86: {  	_ =	shalt  }
0x87: {  	_ =	shalt  }
.Lfunc_end0:
.L_simem_size_0:
called_computation_lowered:
.L_overlay_start_0:
0x88: {  	s2 =	sld [smem:$0x3FD9]  }
0x89: {  	s3 =	sld [smem:$0x3FFE];
	_ =	sdelay $0x1  }
0x8a: {  	s1 =	srdreg.scid  }
0x8b: {  	s0 =	sand.u32 $0x1, s1  }
0x8c: {  	s17 =	sshll.u32 s0, $0xA;
	s2 =	sadd.s32 s3, s2  }
0x8d: {  	s2 =	sadd.s32 s2, s17  }
0x8e: {  	[smem:$0x3FBE] =	sst s2  }
0x8f: {  	_ = 	snop  }
0x90: {  	s2 =	sld [smem:$0x3FC6]  }
0x91: {  	s18 =	sld [smem:$0x3FD0];
	(tm) =	ssettm $0x1  }
0x92: {  	s4 =	sld [smem:$0x3FFB];
	_ =	sdelay $0x3  }
0x93: {  	_ =	strace s4  }
0x94: {  	s4 =	sld [smem:$0x3FFC];
	_ =	sdelay $0x3  }
0x95: {  	_ =	strace s4  }
0x96: {  	s4 =	sld [smem:$0x3FFD];
	_ =	sdelay $0x3  }
0x97: {  	_ =	strace s4  }
0x98: {  	_ =	strace $0x8FFFFFFF  }
0x99: {  	s19 =	sld [smem:$0x3FDB];
	_ =	sdelay $0x1  }
0x9a: {  	s5 =	simm.s32 $_scs_section_size  }
0x9b: {  	s6 =	simm.s32 $_size__tile_overlayer_lowered;
	s7 =	simm.s32 $_tile_overlayer_lowered  }
0x9c: {  	s22 =	simm.s32 $0x1BFF;
	s21 =	sshll.u32 s7, $0x1;
	s4 =	sadd.s32 s5, s19  }
0x9d: {  	s8 =	simm.s32 $0x0;
	s20 =	sshll.u32 s6, $0x1;
	s6 =	sadd.s32 s21, s4  }
0x9e: {  	[timem:s8], [sflag:s22] =	dma.local [hbm:s6], s20  }
0x9f: {  	_ =	swait.ge [sflag:s22], s20  }
0xa0: {  	s5 =	ssub.s32 $0x0, s20;
	[sflag:s22] =	ssyncset.done $0x0  }
0xa1: {  	[sflag:s22] =	ssyncadd.s32 s5;
	_ =	sdelay $0x1  }
0xa2: {  	s23 =	simm.s32 $0x1B8B  }
0xa3: {  	_ =	swait.ge [sflag:s23], $0x1  }
0xa4: {  	[sflag:s23] =	ssyncset.done $0x0  }
0xa5: {  	s25 =	simm.s32 $0x1B8E;
	s24 =	sld [smem:$0x3FFE];
	[sflag:s23] =	ssyncadd.s32 $0xFFFFFFFF  }
0xa6: {  	s26 =	simm.s32 $execute0_lowered;
	[smem:$0x3FD2] =	sst s25  }
0xa7: {  	s6 =	sshll.u32 s26, $0x1;
	_ =	strace $0x80000046;
	[dreg:$0x1] =	wrdreg $0xFFFFFFFF  }
0xa8: {  	s28 =	simm.s32 $_size_execute0_lowered;
	s4 =	sadd.s32 s4, s6;
	[dreg:$0x0] =	wrdreg $0x0  }
0xa9: {  	s6 =	sshll.u32 s28, $0x1;
	[dreg:$0x2] =	wrdreg s4  }
0xaa: {  	[dreg:$0x3] =	wrdreg s6  }
0xab: {  	[dreg:$0x4] =	wrdreg $0xC0  }
0xac: {  	_ =	task [dreg:s8], $0x5FFFF  }
0xad: {  	[dreg:$0x1] =	wrdreg $0xFFFFFFFF  }
0xae: {  	[dreg:$0x0] =	wrdreg $0x60  }
0xaf: {  	[dreg:$0x2] =	wrdreg s18  }
0xb0: {  	[dreg:$0x3] =	wrdreg s2  }
0xb1: {  	[dreg:$0x4] =	wrdreg s24  }
0xb2: {  	[dreg:$0x5] =	wrdreg $0x9  }
0xb3: {  	_ =	task.clear_ibuf [dreg:s8], $0x6FFFF;
	_ =	strace $0x90000046  }
0xb4: {  	s29 =	simm.s32 $0x9;
	_ =	strace $0x80000048  }
0xb5: {  	_ =	swait.ge [sflag:s29], $0x1  }
0xb6: {  	[sflag:s29] =	ssyncadd.s32 $0xFFFFFFFF  }
0xb7: {  	_ =	strace $0x90000048  }
0xb8: {  	_ =	sfence  }
0xb9: {  	s30 =	sld [smem:$0x0];
	_ =	sdelay $0x2  }
0xba: {  	s31 =	sshll.u32 s1, $0xD;
	s1 =	sshrl.u32 s1, $0x2  }
0xbb: {  	s3 =	sand.u32 $0x4000, s31;
	s1 =	sadd.s32 s1, s30  }
0xbc: {  	s0 =	sor.u32 s3, s0;
	s1 =	sshll.u32 s1, $0x11  }
0xbd: {  	s0 =	sor.u32 s1, s0  }
0xbe: {  	s0 =	sadd.s32 $0x8F2B, s0  }
0xbf: {  	[sflag:s0] =	ssyncadd.remote.s32 $0x1  }
0xc0: {  	_ =	sfence.sel $0xFFFF  }
0xc1: {  	[dreg:$0x0] =	wrdreg $0xFFFFFFFF;
	(pc) =	sbr.abs _section_cstart, $3  }
0xc2: {  	[dreg:$0x1] =	wrdreg $0xFFFFFFFF  }
0xc3: {  	_ =	task.clear_ibuf [dreg:s8], $0x2FFFF;
	_ =	strace $0x9FFFFFFF  }
0xc4: {  	(tm) =	ssettm $0x7FFFFFFF  }
0xc5: {  	_ =	shalt  }
tec
execute0_lowered:
.L_overlay_start_1:
0x0: {  	(tag) =	ssettag $0x1  }
0x1: {  	s4 =	rddreg [dreg:$0x0]  }
0x2: {  	s2 =	rddreg [dreg:$0x1];
	s1 =	srdreg.scid  }
0x3: {  	s0 =	stileid.u32;
	s5 =	rddreg [dreg:$0x2]  }
0x4: {  	s3 =	simm.s32 $0x0;
	s14 =	simm.s32 $0x1;
	s15 =	simm.s32 $0x2  }
0x5: {  	s16 =	simm.s32 $0x0;
	s6 =	sand.u32 $0x1, s1;
	s10 =	smul.u32 $0x32000, s0  }
0x6: {  	s7 =	sshll.u32 s0, $0x1;
	s1 =	rddreg [dreg:$0x3];
	s12 =	smul.u32 $0x190000, s0  }
0x7: {  	[smem:$0x7FF] =	sst s3;
	s7 =	sor.u32 s6, s7;
	s13 =	smul.u32 $0xC8000, s6  }
0x8: {  	s9 =	sadd.s32 $0x1600, s5;
	s29 =	ssub.s32 $0x2, s6;
	s8 =	smul.u32 $0x320, s7  }
0x9: {  	_ =	strace $0x80000047;
	s7 =	smul.u32 $0xC8000, s7;
	s11 =	sshrl.u32 s29, $0x1  }
0xa: {  	s30 =	smul.u32 $0x19000, s6;
	s10 =	sadd.s32 s10, s9;
	s11 =	ssub.s32 s29, s11  }
0xb: {  	s12 =	sadd.s32 s13, s12;
	s13 =	simm.s32 $0x5900;
	s7 =	sshrl.u32 s7, $0x3  }
0xc: {  	s4 =	sadd.s32 s4, s8;
	s8 =	sadd.s32 s30, s10;
	s31 =	sshrl.u32 s12, $0x3  }
0xd: {  	s10 =	simm.s32 $0x3;
	s12 =	simm.s32 $0x1900;
	s7 =	sadd.s32 s9, s7  }
0xe: {  	s8 =	sadd.s32 $0x800, s8;
	s9 =	sadd.s32 s31, s9;
	s5 =	sadd.s32 $0x18000, s7  }
0xf: {  	s6 =	sadd.s32 $0x18800, s7;
	s7 =	smax.u32 s11, $0x1;
	s11 =	simm.s32 $0x80  }
.LBB2_1:
0x10: {  	[tilespmem:s3], [sflag:$0x3] =	stream.linear.gather [hbm4b:s4+s3], $0x1900, $0x38;
	[tilespmem:$0x9900] =	vst v63  }
0x11: {  	_ =	swait.ge [sflag:s10], $0x1900  }
0x12: {  	[sflag:s10] =	ssyncset.done $0x0  }
0x13: {  	[sflag:s10] =	ssyncadd.s32 $0xFFFFE700  }
0x14: {  	[tilespmem:s12], [sflag:$0x1] =	stream.indirect.gather [hbm4b:s2+s11], $0x80, s3, s11, $0xb8;
	[tilespmem:$0x9900] =	vst v63  }
0x15: {  	_ = 	snop  }
0x16: {  	[tilespmem:s13], [sflag:$0x2] =	stream.indirect.gather [hbm4b:s2+s11], $0x80, s11, s11, $0xb8;
	[tilespmem:$0x9900] =	vst v63  }
0x17: {  	_ =	swait.ge [sflag:s14], $0x4000  }
0x18: {  	[sflag:s14] =	ssyncset.done $0x0  }
0x19: {  	s17 =	sadd.s32 $0x0, s9;
	[sflag:s14] =	ssyncadd.s32 $0xFFFFC000  }
0x1a: {  	[hbm4b:s17+s3] =	stream.linear.scatter [tilespmem:s12], [sflag:$0x3], $0x4000, $0x38;
	[tilespmem:$0x9900] =	vst v63  }
0x1b: {  	_ =	swait.ge [sflag:s10], $0x4000  }
0x1c: {  	[sflag:s10] =	ssyncset.done $0x0  }
0x1d: {  	s30 =	simm.s32 $0x100;
	[sflag:s10] =	ssyncadd.s32 $0xFFFFC000  }
0x1e: {  	[tilespmem:s12], [sflag:$0x1] =	stream.indirect.gather [hbm4b:s2+s11], $0x80, s30, s11, $0xb8;
	[tilespmem:$0x9900] =	vst v63  }
0x1f: {  	_ =	swait.ge [sflag:s15], $0x4000  }
0x20: {  	[sflag:s15] =	ssyncset.done $0x0  }
0x21: {  	s31 =	sadd.s32 $0x0, s8;
	[sflag:s15] =	ssyncadd.s32 $0xFFFFC000  }
0x22: {  	[hbm4b:s31+s3] =	stream.linear.scatter [tilespmem:s13], [sflag:$0x3], $0x4000, $0x38;
	[tilespmem:$0x9900] =	vst v63  }
0x23: {  	_ =	swait.ge [sflag:s10], $0x4000  }
0x24: {  	s18 =	simm.s32 $0x1000;
	[sflag:s10] =	ssyncset.done $0x0  }
0x25: {  	s19 =	simm.s32 $0x280;
	s17 =	simm.s32 $0x180;
	[sflag:s10] =	ssyncadd.s32 $0xFFFFC000  }
.LBB2_2:
0x26: {  	[tilespmem:s13], [sflag:$0x2] =	stream.indirect.gather [hbm4b:s2+s11], $0x80, s17, s11, $0xb8;
	[tilespmem:$0x9900] =	vst v63  }
0x27: {  	s20 =	smov.u32 s18;
	s17 =	smov.u32 s19  }
0x28: {  	p0 =	sne.s32 s18, $0x17000;
	s18 =	sadd.s32 $0x1000, s18;
	_ =	swait.ge [sflag:s14], $0x4000  }
0x29: {  	[sflag:s14] =	ssyncset.done $0x0  }
0x2a: {  	s21 =	sadd.s32 s20, s9;
	[sflag:s14] =	ssyncadd.s32 $0xFFFFC000  }
0x2b: {  	[hbm4b:s21+s3] =	stream.linear.scatter [tilespmem:s12], [sflag:$0x3], $0x4000, $0x38;
	[tilespmem:$0x9900] =	vst v63  }
0x2c: {  	_ =	swait.ge [sflag:s10], $0x4000  }
0x2d: {  	[sflag:s10] =	ssyncset.done $0x0  }
0x2e: {  	s21 =	sadd.s32 $0xFFFFFF80, s19;
	[sflag:s10] =	ssyncadd.s32 $0xFFFFC000  }
0x2f: {  	[tilespmem:s12], [sflag:$0x1] =	stream.indirect.gather [hbm4b:s2+s11], $0x80, s21, s11, $0xb8;
	[tilespmem:$0x9900] =	vst v63  }
0x30: {  	_ =	swait.ge [sflag:s15], $0x4000  }
0x31: {  	[sflag:s15] =	ssyncset.done $0x0  }
.Ltmp0:
0x32: {  	s20 =	sadd.s32 s20, s8;
	[sflag:s15] =	ssyncadd.s32 $0xFFFFC000;
	(pc) =	sbr.rel @p0 .LBB2_2-.Ltmp0, $4  }
0x33: {  	[hbm4b:s20+s3] =	stream.linear.scatter [tilespmem:s13], [sflag:$0x3], $0x4000, $0x38;
	[tilespmem:$0x9900] =	vst v63  }
0x34: {  	_ =	swait.ge [sflag:s10], $0x4000  }
0x35: {  	[sflag:s10] =	ssyncset.done $0x0  }
0x36: {  	s19 =	sadd.s32 $0x100, s19;
	[sflag:s10] =	ssyncadd.s32 $0xFFFFC000  }
0x37: {  	[tilespmem:s13], [sflag:$0x2] =	stream.indirect.gather [hbm4b:s2+s11], $0x80, s17, s11, $0xb8;
	[tilespmem:$0x9900] =	vst v63  }
0x38: {  	_ =	swait.ge [sflag:s14], $0x4000  }
0x39: {  	[sflag:s14] =	ssyncset.done $0x0  }
0x3a: {  	[sflag:s14] =	ssyncadd.s32 $0xFFFFC000  }
0x3b: {  	[hbm4b:s5+s3] =	stream.linear.scatter [tilespmem:s12], [sflag:$0x3], $0x4000, $0x38;
	[tilespmem:$0x9900] =	vst v63  }
0x3c: {  	_ =	swait.ge [sflag:s10], $0x4000  }
0x3d: {  	[sflag:s10] =	ssyncset.done $0x0  }
0x3e: {  	[sflag:s10] =	ssyncadd.s32 $0xFFFFC000  }
0x3f: {  	s16 =	sadd.s32 $0x1, s16;
	_ =	swait.ge [sflag:s15], $0x4000  }
0x40: {  	p0 =	sne.s32 s16, s7;
	[sflag:s15] =	ssyncset.done $0x0  }
.Ltmp1:
0x41: {  	[sflag:s15] =	ssyncadd.s32 $0xFFFFC000;
	(pc) =	sbr.rel @p0 .LBB2_1-.Ltmp1, $4  }
0x42: {  	[hbm4b:s6+s3] =	stream.linear.scatter [tilespmem:s13], [sflag:$0x3], $0x4000, $0x38;
	[tilespmem:$0x9900] =	vst v63  }
0x43: {  	_ =	swait.ge [sflag:s10], $0x4000  }
0x44: {  	[sflag:s10] =	ssyncset.done $0x0  }
0x45: {  	[sflag:s10] =	ssyncadd.s32 $0xFFFFC000  }
0x46: {  	_ =	sfence.sel $0x180000  }
0x47: {  	[bflag:$0x0] =	sbarrier.arrive $0xFFFF  }
0x48: {  	p0 =	sne.s32 s0, $0x0;
	_ =	strace $0x90000047  }
0x49: {  	s0 =	sadd.s32 @!p0 $0x100000, s1;
	[bflag:$0x2] =	sbarrier.arrive $0xFFFF  }
0x4a: {  	[sflag:s0] =	ssyncadd.tile.s32 @!p0 $0x1;
	_ =	shalt  }
.Lfunc_end2:
_tile_overlayer_lowered:
.L_overlay_start_2:
0x4b: {  	(tag) =	ssettag $0x2  }
0x4c: {  	s0 =	rddreg [dreg:$0x0];
	s2 =	stileid.u32  }
0x4d: {  	s1 =	rddreg [dreg:$0x1];
	p0 =	sne.s32 s2, $0x0  }
0x4e: {  	s3 =	rddreg [dreg:$0x2];
	[bflag:$0x3] =	sbarrier.arrive $0xFFFF;
	s2 =	simm.s32 @!p0 $0x1C03  }
0x4f: {  	[timem:s3], [sflag:s2] =	dma.local @!p0 [hbm:s0], s1  }
0x50: {  	s0 =	simm.s32 @!p0 $0x3  }
0x51: {  	_ =	swait.ge @!p0 [sflag:s0], s1  }
0x52: {  	s1 =	ssub.s32 @!p0 $0x0, s1;
	[sflag:s0] =	ssyncset.done @!p0 $0x0  }
0x53: {  	[sflag:s0] =	ssyncadd.s32 @!p0 s1  }
0x54: {  	[bflag:$0x3] =	sbarrier.arrive $0xFFFF  }
0x55: {  	_ =	shalt  }

</sc_bundles>
